<compile_context>
chip_gen: v7x
topology: tpu7x:2x2x1
jax: 0.10.2.dev20260603
libtpu: 0.0.44.dev20260713+nightly
codegen_flags: <defaults>
</compile_context>

<pallas_src>
import functools

import jax
import jax.numpy as jnp
from jax import lax
from jax.experimental import pallas as pl
from jax.experimental.pallas import tpu as pltpu
from jax.experimental.pallas import tpu_sc as plsc

D = 64
B = 16384
NC, NS, L = 2, 16, 16
NW = NC * NS
BPW = B // NW
CHUNK = 128
NCH = BPW // CHUNK

_mesh = plsc.VectorSubcoreMesh(
    core_axis_name="c", subcore_axis_name="s", num_cores=NC, num_subcores=NS)


@functools.partial(
    pl.kernel,
    out_type=jax.ShapeDtypeStruct((NW, L), jnp.float32),
    mesh=_mesh,
    compiler_params=pltpu.CompilerParams(use_tc_tiling_on_sc=False),
    scratch_types=[
        pltpu.VMEM((NCH, CHUNK), jnp.int32),
        pltpu.VMEM((BPW, D), jnp.float32),
        pltpu.VMEM((BPW, D), jnp.float32),
        pltpu.VMEM((L,), jnp.float32),
        pltpu.SemaphoreType.DMA,
        pltpu.SemaphoreType.DMA,
    ],
)
def _sc_partials(feat_hbm, lab_hbm, cent_hbm, out_hbm,
                 idx_v, feat_v, rows_v, acc_v, gsem, fsem):
    wid = lax.axis_index("s") * NC + lax.axis_index("c")
    base = wid * BPW
    pltpu.sync_copy(lab_hbm.at[wid], idx_v)
    fcp = pltpu.async_copy(feat_hbm.at[pl.ds(base, BPW)], feat_v, fsem)
    gcps = [
        pltpu.async_copy(cent_hbm.at[idx_v.at[j]],
                         rows_v.at[pl.ds(j * CHUNK, CHUNK)], gsem)
        for j in range(NCH)
    ]
    fcp.wait()
    for g in gcps:
        g.wait()

    def body(r, accs):
        out = []
        for c in range(D // L):
            f = feat_v[r, pl.ds(c * L, L)]
            g = rows_v[r, pl.ds(c * L, L)]
            dlt = f - g
            out.append(accs[c] + dlt * dlt)
        return tuple(out)

    zero = jnp.zeros((L,), jnp.float32)
    accs = lax.fori_loop(0, BPW, body, (zero,) * (D // L))
    acc_v[...] = (accs[0] + accs[1]) + (accs[2] + accs[3])
    pltpu.sync_copy(acc_v, out_hbm.at[wid])


def _tc_mean_body(p_ref, o_ref):
    o_ref[0, 0] = jnp.sum(p_ref[...]) * (1.0 / B)


_tc_mean = pl.pallas_call(
    _tc_mean_body,
    out_shape=jax.ShapeDtypeStruct((1, 1), jnp.float32),
    out_specs=pl.BlockSpec(memory_space=pltpu.SMEM),
)


def kernel(features, labels, centers):
    lab = labels.astype(jnp.int32).reshape(NW, NCH, CHUNK)
    partials = _sc_partials(features, lab, centers)
    return _tc_mean(partials)[0, 0]

# --- scband reference (transcript-rebuilt; emitter-appended) ---
"""Pipeline reference for scband-center-loss-30709016166984 (READ-ONLY COPY).

The authoritative reference and input builder live on the scoring server;
editing this copy changes nothing except your own understanding.
"""

import jax, jax.numpy as jnp
import numpy as np

NUM_CLASSES = 100000
FEATURE_DIM = 64
BATCH = 16384


def setup_inputs(seed: int = 0) -> dict:
    key = jax.random.key(seed)
    k1, k2, k3 = jax.random.split(key, 3)
    features = jax.random.normal(k1, (BATCH, FEATURE_DIM), dtype=jnp.float32)
    labels = jax.random.randint(k2, (BATCH,), 0, NUM_CLASSES, dtype=jnp.int64 if jax.config.jax_enable_x64 else jnp.int32)
    centers = jax.random.normal(k3, (NUM_CLASSES, FEATURE_DIM), dtype=jnp.float32)
    return {"features": features, "labels": labels, "centers": centers}


def reference(features, labels, centers):
    # centers_batch = self.centers[labels]  (gather)
    centers_batch = jnp.take(centers, labels, axis=0)
    distances = jnp.sum((features - centers_batch) ** 2, axis=1)
    return jnp.mean(distances)

if __name__ == "__main__":
    import jax
    _d = setup_inputs()
    print(jax.jit(kernel)(*tuple(_d.values())))

</pallas_src>

<mosaic_0001>
#map = affine_map<(d0, d1) -> (0, 0)>
#map1 = affine_map<(d0, d1) -> (0, 0, 0)>
module attributes {stable_mosaic.version = 14 : i64} {
  func.func @_sc_partials(%arg0: i32, %arg1: i32, %arg2: memref<16384x64xf32, #tpu.memory_space<hbm>>, %arg3: memref<32x4x128xi32, #tpu.memory_space<hbm>>, %arg4: memref<100000x64xf32, #tpu.memory_space<hbm>>, %arg5: memref<32x16xf32, #tpu.memory_space<hbm>>, %arg6: memref<4x128xi32, #tpu.memory_space<vmem>>, %arg7: memref<512x64xf32, #tpu.memory_space<vmem>>, %arg8: memref<512x64xf32, #tpu.memory_space<vmem>>, %arg9: memref<16xf32, #tpu.memory_space<vmem>>, %arg10: memref<!tpu.dma_semaphore, #tpu.memory_space<semaphore_mem>>, %arg11: memref<!tpu.dma_semaphore, #tpu.memory_space<semaphore_mem>>) attributes {dimension_semantics = [#tpu.dimension_semantics<core_parallel>, #tpu.dimension_semantics<subcore_parallel>], iteration_bounds = array<i64: 2, 16>, scalar_prefetch = 0 : i64, scratch_operands = 6 : i64, tpu.core_type = #tpu.core_type<sc_vector_subcore>, window_params = [{transform_indices = #map}, {transform_indices = #map1}, {transform_indices = #map}, {transform_indices = #map}]} {
    %mul3A = arith.constant 2 : i32
    %mul3A_0 = arith.muli %arg1, %mul3A : i32
    %add3A = arith.addi %mul3A_0, %arg0 : i32
    %mul3A_1 = arith.constant 512 : i32
    %mul3A_2 = arith.muli %add3A, %mul3A_1 : i32
    "tpu.region"() ({
      %run_scoped3A = tpu.sem_alloc : memref<!tpu.dma_semaphore, #tpu.memory_space<semaphore_mem>>
      %dma_start3A_101 = arith.constant 0 : i32
      %dma_start3A_102 = arith.constant 0 : i32
      %dma_start3A_103 = tpu.memref_slice %arg3[%add3A, %dma_start3A_101, %dma_start3A_102] : memref<32x4x128xi32, #tpu.memory_space<hbm>> -> memref<1x4x128xi32, #tpu.memory_space<hbm>>
      %dma_start3A_104 = tpu.memref_squeeze %dma_start3A_103 : memref<1x4x128xi32, #tpu.memory_space<hbm>> -> memref<4x128xi32, #tpu.memory_space<hbm>>
      %dma_start3A_105 = arith.constant 0 : i32
      %dma_start3A_106 = arith.constant 0 : i32
      %dma_start3A_107 = tpu.memref_slice %arg3[%add3A, %dma_start3A_105, %dma_start3A_106] : memref<32x4x128xi32, #tpu.memory_space<hbm>> -> memref<1x4x128xi32, #tpu.memory_space<hbm>>
      %dma_start3A_108 = tpu.memref_squeeze %dma_start3A_107 : memref<1x4x128xi32, #tpu.memory_space<hbm>> -> memref<4x128xi32, #tpu.memory_space<hbm>>
      tpu.enqueue_dma source(%dma_start3A_108 : memref<4x128xi32, #tpu.memory_space<hbm>>) target(%arg6 : memref<4x128xi32, #tpu.memory_space<vmem>>) target_semaphore(%run_scoped3A : memref<!tpu.dma_semaphore, #tpu.memory_space<semaphore_mem>>)
      %dma_wait3A_109 = arith.constant 0 : i32
      %dma_wait3A_110 = arith.constant 0 : i32
      %dma_wait3A_111 = tpu.memref_slice %arg3[%add3A, %dma_wait3A_109, %dma_wait3A_110] : memref<32x4x128xi32, #tpu.memory_space<hbm>> -> memref<1x4x128xi32, #tpu.memory_space<hbm>>
      %dma_wait3A_112 = tpu.memref_squeeze %dma_wait3A_111 : memref<1x4x128xi32, #tpu.memory_space<hbm>> -> memref<4x128xi32, #tpu.memory_space<hbm>>
      %dma_wait3A_113 = arith.constant 0 : i32
      %dma_wait3A_114 = arith.constant 0 : i32
      %dma_wait3A_115 = tpu.memref_slice %arg3[%add3A, %dma_wait3A_113, %dma_wait3A_114] : memref<32x4x128xi32, #tpu.memory_space<hbm>> -> memref<1x4x128xi32, #tpu.memory_space<hbm>>
      %dma_wait3A_116 = tpu.memref_squeeze %dma_wait3A_115 : memref<1x4x128xi32, #tpu.memory_space<hbm>> -> memref<4x128xi32, #tpu.memory_space<hbm>>
      tpu.wait_dma2 semaphore(%run_scoped3A : memref<!tpu.dma_semaphore, #tpu.memory_space<semaphore_mem>>) src(%dma_wait3A_116 : memref<4x128xi32, #tpu.memory_space<hbm>>) dst(%arg6 : memref<4x128xi32, #tpu.memory_space<vmem>>)
      tpu.yield
    }) : () -> ()
    %dma_start3A = arith.constant 0 : i32
    %dma_start3A_3 = tpu.memref_slice %arg2[%mul3A_2, %dma_start3A] : memref<16384x64xf32, #tpu.memory_space<hbm>> -> memref<512x64xf32, #tpu.memory_space<hbm>>
    %dma_start3A_4 = arith.constant 0 : i32
    %dma_start3A_5 = tpu.memref_slice %arg2[%mul3A_2, %dma_start3A_4] : memref<16384x64xf32, #tpu.memory_space<hbm>> -> memref<512x64xf32, #tpu.memory_space<hbm>>
    tpu.enqueue_dma source(%dma_start3A_5 : memref<512x64xf32, #tpu.memory_space<hbm>>) target(%arg7 : memref<512x64xf32, #tpu.memory_space<vmem>>) target_semaphore(%arg11 : memref<!tpu.dma_semaphore, #tpu.memory_space<semaphore_mem>>)
    %dma_start3A_6 = arith.constant 0 : i32
    %dma_start3A_7 = arith.constant 0 : i32
    %dma_start3A_8 = arith.constant 0 : i32
    %dma_start3A_9 = tpu.memref_slice %arg8[%dma_start3A_7, %dma_start3A_8] : memref<512x64xf32, #tpu.memory_space<vmem>> -> memref<128x64xf32, #tpu.memory_space<vmem>>
    %dma_start3A_10 = arith.constant 0 : i32
    %dma_start3A_11 = tpu.memref_slice %arg6[%dma_start3A_6, %dma_start3A_10] : memref<4x128xi32, #tpu.memory_space<vmem>> -> memref<1x128xi32, #tpu.memory_space<vmem>>
    %dma_start3A_12 = tpu.memref_squeeze %dma_start3A_11 : memref<1x128xi32, #tpu.memory_space<vmem>> -> memref<128xi32, #tpu.memory_space<vmem>>
    %dma_start3A_13 = arith.constant 0 : i32
    %dma_start3A_14 = arith.constant 0 : i32
    %dma_start3A_15 = tpu.memref_slice %arg4[%dma_start3A_13, %dma_start3A_14] : memref<100000x64xf32, #tpu.memory_space<hbm>> -> memref<100000x64xf32, #tpu.memory_space<hbm>>
    tpu.enqueue_indirect_dma source(%dma_start3A_15 : memref<100000x64xf32, #tpu.memory_space<hbm>>) target(%dma_start3A_9 : memref<128x64xf32, #tpu.memory_space<vmem>>) offsets(%dma_start3A_12 : memref<128xi32, #tpu.memory_space<vmem>>) semaphore(%arg10 : memref<!tpu.dma_semaphore, #tpu.memory_space<semaphore_mem>>)
    %dma_start3A_16 = arith.constant 1 : i32
    %dma_start3A_17 = arith.constant 128 : i32
    %dma_start3A_18 = arith.constant 0 : i32
    %dma_start3A_19 = tpu.memref_slice %arg8[%dma_start3A_17, %dma_start3A_18] : memref<512x64xf32, #tpu.memory_space<vmem>> -> memref<128x64xf32, #tpu.memory_space<vmem>>
    %dma_start3A_20 = arith.constant 0 : i32
    %dma_start3A_21 = tpu.memref_slice %arg6[%dma_start3A_16, %dma_start3A_20] : memref<4x128xi32, #tpu.memory_space<vmem>> -> memref<1x128xi32, #tpu.memory_space<vmem>>
    %dma_start3A_22 = tpu.memref_squeeze %dma_start3A_21 : memref<1x128xi32, #tpu.memory_space<vmem>> -> memref<128xi32, #tpu.memory_space<vmem>>
    %dma_start3A_23 = arith.constant 0 : i32
    %dma_start3A_24 = arith.constant 0 : i32
    %dma_start3A_25 = tpu.memref_slice %arg4[%dma_start3A_23, %dma_start3A_24] : memref<100000x64xf32, #tpu.memory_space<hbm>> -> memref<100000x64xf32, #tpu.memory_space<hbm>>
    tpu.enqueue_indirect_dma source(%dma_start3A_25 : memref<100000x64xf32, #tpu.memory_space<hbm>>) target(%dma_start3A_19 : memref<128x64xf32, #tpu.memory_space<vmem>>) offsets(%dma_start3A_22 : memref<128xi32, #tpu.memory_space<vmem>>) semaphore(%arg10 : memref<!tpu.dma_semaphore, #tpu.memory_space<semaphore_mem>>)
    %dma_start3A_26 = arith.constant 2 : i32
    %dma_start3A_27 = arith.constant 256 : i32
    %dma_start3A_28 = arith.constant 0 : i32
    %dma_start3A_29 = tpu.memref_slice %arg8[%dma_start3A_27, %dma_start3A_28] : memref<512x64xf32, #tpu.memory_space<vmem>> -> memref<128x64xf32, #tpu.memory_space<vmem>>
    %dma_start3A_30 = arith.constant 0 : i32
    %dma_start3A_31 = tpu.memref_slice %arg6[%dma_start3A_26, %dma_start3A_30] : memref<4x128xi32, #tpu.memory_space<vmem>> -> memref<1x128xi32, #tpu.memory_space<vmem>>
    %dma_start3A_32 = tpu.memref_squeeze %dma_start3A_31 : memref<1x128xi32, #tpu.memory_space<vmem>> -> memref<128xi32, #tpu.memory_space<vmem>>
    %dma_start3A_33 = arith.constant 0 : i32
    %dma_start3A_34 = arith.constant 0 : i32
    %dma_start3A_35 = tpu.memref_slice %arg4[%dma_start3A_33, %dma_start3A_34] : memref<100000x64xf32, #tpu.memory_space<hbm>> -> memref<100000x64xf32, #tpu.memory_space<hbm>>
    tpu.enqueue_indirect_dma source(%dma_start3A_35 : memref<100000x64xf32, #tpu.memory_space<hbm>>) target(%dma_start3A_29 : memref<128x64xf32, #tpu.memory_space<vmem>>) offsets(%dma_start3A_32 : memref<128xi32, #tpu.memory_space<vmem>>) semaphore(%arg10 : memref<!tpu.dma_semaphore, #tpu.memory_space<semaphore_mem>>)
    %dma_start3A_36 = arith.constant 3 : i32
    %dma_start3A_37 = arith.constant 384 : i32
    %dma_start3A_38 = arith.constant 0 : i32
    %dma_start3A_39 = tpu.memref_slice %arg8[%dma_start3A_37, %dma_start3A_38] : memref<512x64xf32, #tpu.memory_space<vmem>> -> memref<128x64xf32, #tpu.memory_space<vmem>>
    %dma_start3A_40 = arith.constant 0 : i32
    %dma_start3A_41 = tpu.memref_slice %arg6[%dma_start3A_36, %dma_start3A_40] : memref<4x128xi32, #tpu.memory_space<vmem>> -> memref<1x128xi32, #tpu.memory_space<vmem>>
    %dma_start3A_42 = tpu.memref_squeeze %dma_start3A_41 : memref<1x128xi32, #tpu.memory_space<vmem>> -> memref<128xi32, #tpu.memory_space<vmem>>
    %dma_start3A_43 = arith.constant 0 : i32
    %dma_start3A_44 = arith.constant 0 : i32
    %dma_start3A_45 = tpu.memref_slice %arg4[%dma_start3A_43, %dma_start3A_44] : memref<100000x64xf32, #tpu.memory_space<hbm>> -> memref<100000x64xf32, #tpu.memory_space<hbm>>
    tpu.enqueue_indirect_dma source(%dma_start3A_45 : memref<100000x64xf32, #tpu.memory_space<hbm>>) target(%dma_start3A_39 : memref<128x64xf32, #tpu.memory_space<vmem>>) offsets(%dma_start3A_42 : memref<128xi32, #tpu.memory_space<vmem>>) semaphore(%arg10 : memref<!tpu.dma_semaphore, #tpu.memory_space<semaphore_mem>>)
    %dma_wait3A = arith.constant 0 : i32
    %dma_wait3A_46 = tpu.memref_slice %arg2[%mul3A_2, %dma_wait3A] : memref<16384x64xf32, #tpu.memory_space<hbm>> -> memref<512x64xf32, #tpu.memory_space<hbm>>
    %dma_wait3A_47 = arith.constant 0 : i32
    %dma_wait3A_48 = tpu.memref_slice %arg2[%mul3A_2, %dma_wait3A_47] : memref<16384x64xf32, #tpu.memory_space<hbm>> -> memref<512x64xf32, #tpu.memory_space<hbm>>
    tpu.wait_dma2 semaphore(%arg11 : memref<!tpu.dma_semaphore, #tpu.memory_space<semaphore_mem>>) src(%dma_wait3A_48 : memref<512x64xf32, #tpu.memory_space<hbm>>) dst(%arg7 : memref<512x64xf32, #tpu.memory_space<vmem>>)
    %dma_wait3A_49 = arith.constant 0 : i32
    %dma_wait3A_50 = arith.constant 0 : i32
    %dma_wait3A_51 = arith.constant 0 : i32
    %dma_wait3A_52 = tpu.memref_slice %arg8[%dma_wait3A_50, %dma_wait3A_51] : memref<512x64xf32, #tpu.memory_space<vmem>> -> memref<128x64xf32, #tpu.memory_space<vmem>>
    %dma_wait3A_53 = arith.constant 0 : i32
    %dma_wait3A_54 = tpu.memref_slice %arg6[%dma_wait3A_49, %dma_wait3A_53] : memref<4x128xi32, #tpu.memory_space<vmem>> -> memref<1x128xi32, #tpu.memory_space<vmem>>
    %dma_wait3A_55 = tpu.memref_squeeze %dma_wait3A_54 : memref<1x128xi32, #tpu.memory_space<vmem>> -> memref<128xi32, #tpu.memory_space<vmem>>
    %dma_wait3A_56 = arith.constant 0 : i32
    %dma_wait3A_57 = arith.constant 0 : i32
    %dma_wait3A_58 = tpu.memref_slice %arg4[%dma_wait3A_56, %dma_wait3A_57] : memref<100000x64xf32, #tpu.memory_space<hbm>> -> memref<100000x64xf32, #tpu.memory_space<hbm>>
    tpu.wait_indirect_dma semaphore(%arg10 : memref<!tpu.dma_semaphore, #tpu.memory_space<semaphore_mem>>) src(%dma_wait3A_58 : memref<100000x64xf32, #tpu.memory_space<hbm>>) dst(%dma_wait3A_52 : memref<128x64xf32, #tpu.memory_space<vmem>>)
    %dma_wait3A_59 = arith.constant 1 : i32
    %dma_wait3A_60 = arith.constant 128 : i32
    %dma_wait3A_61 = arith.constant 0 : i32
    %dma_wait3A_62 = tpu.memref_slice %arg8[%dma_wait3A_60, %dma_wait3A_61] : memref<512x64xf32, #tpu.memory_space<vmem>> -> memref<128x64xf32, #tpu.memory_space<vmem>>
    %dma_wait3A_63 = arith.constant 0 : i32
    %dma_wait3A_64 = tpu.memref_slice %arg6[%dma_wait3A_59, %dma_wait3A_63] : memref<4x128xi32, #tpu.memory_space<vmem>> -> memref<1x128xi32, #tpu.memory_space<vmem>>
    %dma_wait3A_65 = tpu.memref_squeeze %dma_wait3A_64 : memref<1x128xi32, #tpu.memory_space<vmem>> -> memref<128xi32, #tpu.memory_space<vmem>>
    %dma_wait3A_66 = arith.constant 0 : i32
    %dma_wait3A_67 = arith.constant 0 : i32
    %dma_wait3A_68 = tpu.memref_slice %arg4[%dma_wait3A_66, %dma_wait3A_67] : memref<100000x64xf32, #tpu.memory_space<hbm>> -> memref<100000x64xf32, #tpu.memory_space<hbm>>
    tpu.wait_indirect_dma semaphore(%arg10 : memref<!tpu.dma_semaphore, #tpu.memory_space<semaphore_mem>>) src(%dma_wait3A_68 : memref<100000x64xf32, #tpu.memory_space<hbm>>) dst(%dma_wait3A_62 : memref<128x64xf32, #tpu.memory_space<vmem>>)
    %dma_wait3A_69 = arith.constant 2 : i32
    %dma_wait3A_70 = arith.constant 256 : i32
    %dma_wait3A_71 = arith.constant 0 : i32
    %dma_wait3A_72 = tpu.memref_slice %arg8[%dma_wait3A_70, %dma_wait3A_71] : memref<512x64xf32, #tpu.memory_space<vmem>> -> memref<128x64xf32, #tpu.memory_space<vmem>>
    %dma_wait3A_73 = arith.constant 0 : i32
    %dma_wait3A_74 = tpu.memref_slice %arg6[%dma_wait3A_69, %dma_wait3A_73] : memref<4x128xi32, #tpu.memory_space<vmem>> -> memref<1x128xi32, #tpu.memory_space<vmem>>
    %dma_wait3A_75 = tpu.memref_squeeze %dma_wait3A_74 : memref<1x128xi32, #tpu.memory_space<vmem>> -> memref<128xi32, #tpu.memory_space<vmem>>
    %dma_wait3A_76 = arith.constant 0 : i32
    %dma_wait3A_77 = arith.constant 0 : i32
    %dma_wait3A_78 = tpu.memref_slice %arg4[%dma_wait3A_76, %dma_wait3A_77] : memref<100000x64xf32, #tpu.memory_space<hbm>> -> memref<100000x64xf32, #tpu.memory_space<hbm>>
    tpu.wait_indirect_dma semaphore(%arg10 : memref<!tpu.dma_semaphore, #tpu.memory_space<semaphore_mem>>) src(%dma_wait3A_78 : memref<100000x64xf32, #tpu.memory_space<hbm>>) dst(%dma_wait3A_72 : memref<128x64xf32, #tpu.memory_space<vmem>>)
    %dma_wait3A_79 = arith.constant 3 : i32
    %dma_wait3A_80 = arith.constant 384 : i32
    %dma_wait3A_81 = arith.constant 0 : i32
    %dma_wait3A_82 = tpu.memref_slice %arg8[%dma_wait3A_80, %dma_wait3A_81] : memref<512x64xf32, #tpu.memory_space<vmem>> -> memref<128x64xf32, #tpu.memory_space<vmem>>
    %dma_wait3A_83 = arith.constant 0 : i32
    %dma_wait3A_84 = tpu.memref_slice %arg6[%dma_wait3A_79, %dma_wait3A_83] : memref<4x128xi32, #tpu.memory_space<vmem>> -> memref<1x128xi32, #tpu.memory_space<vmem>>
    %dma_wait3A_85 = tpu.memref_squeeze %dma_wait3A_84 : memref<1x128xi32, #tpu.memory_space<vmem>> -> memref<128xi32, #tpu.memory_space<vmem>>
    %dma_wait3A_86 = arith.constant 0 : i32
    %dma_wait3A_87 = arith.constant 0 : i32
    %dma_wait3A_88 = tpu.memref_slice %arg4[%dma_wait3A_86, %dma_wait3A_87] : memref<100000x64xf32, #tpu.memory_space<hbm>> -> memref<100000x64xf32, #tpu.memory_space<hbm>>
    tpu.wait_indirect_dma semaphore(%arg10 : memref<!tpu.dma_semaphore, #tpu.memory_space<semaphore_mem>>) src(%dma_wait3A_88 : memref<100000x64xf32, #tpu.memory_space<hbm>>) dst(%dma_wait3A_82 : memref<128x64xf32, #tpu.memory_space<vmem>>)
    %broadcast_in_dim3A = arith.constant 0.000000e+00 : f32
    %broadcast_in_dim3A_89 = vector.broadcast %broadcast_in_dim3A : f32 to vector<16xf32>
    %scan3A = arith.constant 0 : i32
    %scan3A_90 = arith.constant 512 : i32
    %scan3A_91 = arith.addi %scan3A, %scan3A_90 : i32
    %scan3A_92 = arith.constant 1 : i32
    %scan3A_93:4 = scf.for %scan3A_101 = %scan3A to %scan3A_91 step %scan3A_92 iter_args(%scan3A_102 = %broadcast_in_dim3A_89, %scan3A_103 = %broadcast_in_dim3A_89, %scan3A_104 = %broadcast_in_dim3A_89, %scan3A_105 = %broadcast_in_dim3A_89) -> (vector<16xf32>, vector<16xf32>, vector<16xf32>, vector<16xf32>)  : i32 {
      %get3A = arith.index_cast %scan3A_101 : i32 to index
      %get3A_106 = arith.constant 0 : index
      %get3A_107 = tpu.vector_load %arg7[%get3A, %get3A_106] {strides = array<i32>} : memref<512x64xf32, #tpu.memory_space<vmem>>, vector<1x16xf32>,
      %get3A_108 = vector.shape_cast %get3A_107 : vector<1x16xf32> to vector<16xf32>
      %get3A_109 = arith.index_cast %scan3A_101 : i32 to index
      %get3A_110 = arith.constant 0 : index
      %get3A_111 = tpu.vector_load %arg8[%get3A_109, %get3A_110] {strides = array<i32>} : memref<512x64xf32, #tpu.memory_space<vmem>>, vector<1x16xf32>,
      %get3A_112 = vector.shape_cast %get3A_111 : vector<1x16xf32> to vector<16xf32>
      %sub3A = arith.subf %get3A_108, %get3A_112 : vector<16xf32>
      %mul3A_113 = arith.mulf %sub3A, %sub3A : vector<16xf32>
      %add3A_114 = arith.addf %scan3A_102, %mul3A_113 : vector<16xf32>
      %get3A_115 = arith.index_cast %scan3A_101 : i32 to index
      %get3A_116 = arith.constant 16 : index
      %get3A_117 = tpu.vector_load %arg7[%get3A_115, %get3A_116] {strides = array<i32>} : memref<512x64xf32, #tpu.memory_space<vmem>>, vector<1x16xf32>,
      %get3A_118 = vector.shape_cast %get3A_117 : vector<1x16xf32> to vector<16xf32>
      %get3A_119 = arith.index_cast %scan3A_101 : i32 to index
      %get3A_120 = arith.constant 16 : index
      %get3A_121 = tpu.vector_load %arg8[%get3A_119, %get3A_120] {strides = array<i32>} : memref<512x64xf32, #tpu.memory_space<vmem>>, vector<1x16xf32>,
      %get3A_122 = vector.shape_cast %get3A_121 : vector<1x16xf32> to vector<16xf32>
      %sub3A_123 = arith.subf %get3A_118, %get3A_122 : vector<16xf32>
      %mul3A_124 = arith.mulf %sub3A_123, %sub3A_123 : vector<16xf32>
      %add3A_125 = arith.addf %scan3A_103, %mul3A_124 : vector<16xf32>
      %get3A_126 = arith.index_cast %scan3A_101 : i32 to index
      %get3A_127 = arith.constant 32 : index
      %get3A_128 = tpu.vector_load %arg7[%get3A_126, %get3A_127] {strides = array<i32>} : memref<512x64xf32, #tpu.memory_space<vmem>>, vector<1x16xf32>,
      %get3A_129 = vector.shape_cast %get3A_128 : vector<1x16xf32> to vector<16xf32>
      %get3A_130 = arith.index_cast %scan3A_101 : i32 to index
      %get3A_131 = arith.constant 32 : index
      %get3A_132 = tpu.vector_load %arg8[%get3A_130, %get3A_131] {strides = array<i32>} : memref<512x64xf32, #tpu.memory_space<vmem>>, vector<1x16xf32>,
      %get3A_133 = vector.shape_cast %get3A_132 : vector<1x16xf32> to vector<16xf32>
      %sub3A_134 = arith.subf %get3A_129, %get3A_133 : vector<16xf32>
      %mul3A_135 = arith.mulf %sub3A_134, %sub3A_134 : vector<16xf32>
      %add3A_136 = arith.addf %scan3A_104, %mul3A_135 : vector<16xf32>
      %get3A_137 = arith.index_cast %scan3A_101 : i32 to index
      %get3A_138 = arith.constant 48 : index
      %get3A_139 = tpu.vector_load %arg7[%get3A_137, %get3A_138] {strides = array<i32>} : memref<512x64xf32, #tpu.memory_space<vmem>>, vector<1x16xf32>,
      %get3A_140 = vector.shape_cast %get3A_139 : vector<1x16xf32> to vector<16xf32>
      %get3A_141 = arith.index_cast %scan3A_101 : i32 to index
      %get3A_142 = arith.constant 48 : index
      %get3A_143 = tpu.vector_load %arg8[%get3A_141, %get3A_142] {strides = array<i32>} : memref<512x64xf32, #tpu.memory_space<vmem>>, vector<1x16xf32>,
      %get3A_144 = vector.shape_cast %get3A_143 : vector<1x16xf32> to vector<16xf32>
      %sub3A_145 = arith.subf %get3A_140, %get3A_144 : vector<16xf32>
      %mul3A_146 = arith.mulf %sub3A_145, %sub3A_145 : vector<16xf32>
      %add3A_147 = arith.addf %scan3A_105, %mul3A_146 : vector<16xf32>
      scf.yield %add3A_114, %add3A_125, %add3A_136, %add3A_147 : vector<16xf32>, vector<16xf32>, vector<16xf32>, vector<16xf32>
    }
    %scan3A_94 = arith.constant 512 : i32
    %add3A_95 = arith.addf %scan3A_93#0, %scan3A_93#1 : vector<16xf32>
    %add3A_96 = arith.addf %scan3A_93#2, %scan3A_93#3 : vector<16xf32>
    %add3A_97 = arith.addf %add3A_95, %add3A_96 : vector<16xf32>
    %swap3A = arith.constant 0 : index
    %swap3A_98 = tpu.vector_load %arg9[%swap3A] {strides = array<i32>} : memref<16xf32, #tpu.memory_space<vmem>>, vector<16xf32>,
    %swap3A_99 = vector.shape_cast %swap3A_98 : vector<16xf32> to vector<16xf32>
    %swap3A_100 = vector.shape_cast %add3A_97 : vector<16xf32> to vector<16xf32>
    tpu.vector_store %arg9[%swap3A], %swap3A_100 {strides = array<i32>} : memref<16xf32, #tpu.memory_space<vmem>>, vector<16xf32>,
    "tpu.region"() ({
      %run_scoped3A = tpu.sem_alloc : memref<!tpu.dma_semaphore, #tpu.memory_space<semaphore_mem>>
      %dma_start3A_101 = arith.constant 0 : i32
      %dma_start3A_102 = tpu.memref_slice %arg5[%add3A, %dma_start3A_101] : memref<32x16xf32, #tpu.memory_space<hbm>> -> memref<1x16xf32, #tpu.memory_space<hbm>>
      %dma_start3A_103 = tpu.memref_squeeze %dma_start3A_102 : memref<1x16xf32, #tpu.memory_space<hbm>> -> memref<16xf32, #tpu.memory_space<hbm>>
      %dma_start3A_104 = arith.constant 0 : i32
      %dma_start3A_105 = tpu.memref_slice %arg5[%add3A, %dma_start3A_104] : memref<32x16xf32, #tpu.memory_space<hbm>> -> memref<1x16xf32, #tpu.memory_space<hbm>>
      %dma_start3A_106 = tpu.memref_squeeze %dma_start3A_105 : memref<1x16xf32, #tpu.memory_space<hbm>> -> memref<16xf32, #tpu.memory_space<hbm>>
      tpu.enqueue_dma source(%arg9 : memref<16xf32, #tpu.memory_space<vmem>>) target(%dma_start3A_106 : memref<16xf32, #tpu.memory_space<hbm>>) target_semaphore(%run_scoped3A : memref<!tpu.dma_semaphore, #tpu.memory_space<semaphore_mem>>)
      %dma_wait3A_107 = arith.constant 0 : i32
      %dma_wait3A_108 = tpu.memref_slice %arg5[%add3A, %dma_wait3A_107] : memref<32x16xf32, #tpu.memory_space<hbm>> -> memref<1x16xf32, #tpu.memory_space<hbm>>
      %dma_wait3A_109 = tpu.memref_squeeze %dma_wait3A_108 : memref<1x16xf32, #tpu.memory_space<hbm>> -> memref<16xf32, #tpu.memory_space<hbm>>
      %dma_wait3A_110 = arith.constant 0 : i32
      %dma_wait3A_111 = tpu.memref_slice %arg5[%add3A, %dma_wait3A_110] : memref<32x16xf32, #tpu.memory_space<hbm>> -> memref<1x16xf32, #tpu.memory_space<hbm>>
      %dma_wait3A_112 = tpu.memref_squeeze %dma_wait3A_111 : memref<1x16xf32, #tpu.memory_space<hbm>> -> memref<16xf32, #tpu.memory_space<hbm>>
      tpu.wait_dma2 semaphore(%run_scoped3A : memref<!tpu.dma_semaphore, #tpu.memory_space<semaphore_mem>>) src(%arg9 : memref<16xf32, #tpu.memory_space<vmem>>) dst(%dma_wait3A_112 : memref<16xf32, #tpu.memory_space<hbm>>)
      tpu.yield
    }) : () -> ()
    return
  }
}

module attributes {stable_mosaic.version = 14 : i64} {
  func.func @_tc_mean_body(%arg0: memref<32x16xf32, #tpu.memory_space<vmem>>, %arg1: memref<1x1xf32, #tpu.memory_space<smem>>) attributes {dimension_semantics = [], scalar_prefetch = 0 : i64, scratch_operands = 0 : i64, tpu.core_type = #tpu.core_type<tc>} {
    %get3A = arith.constant 0 : index
    %get3A_0 = arith.constant 0 : index
    %get3A_1 = vector.load %arg0[%get3A, %get3A_0] : memref<32x16xf32, #tpu.memory_space<vmem>>, vector<32x16xf32>
    %reduce_sum3A = vector.shape_cast %get3A_1 : vector<32x16xf32> to vector<1x32x16xf32>
    %reduce_sum3A_2 = arith.constant dense<0.000000e+00> : vector<1xf32>
    %reduce_sum3A_3 = vector.multi_reduction <add>, %reduce_sum3A, %reduce_sum3A_2 [1, 2] : vector<1x32x16xf32> to vector<1xf32>
    %reduce_sum3A_4 = vector.shape_cast %reduce_sum3A_3 : vector<1xf32> to vector<1x1x1xf32>
    %reduce_sum3A_5 = vector.extract %reduce_sum3A_4[0, 0, 0] : f32 from vector<1x1x1xf32>
    %mul3A = arith.constant 6.10351563E-5 : f32
    %mul3A_6 = arith.mulf %reduce_sum3A_5, %mul3A : f32
    %swap3A = arith.constant 0 : index
    %swap3A_7 = arith.constant 0 : index
    %swap3A_8 = memref.load %arg1[%swap3A, %swap3A_7] : memref<1x1xf32, #tpu.memory_space<smem>>
    memref.store %mul3A_6, %arg1[%swap3A, %swap3A_7] : memref<1x1xf32, #tpu.memory_space<smem>>
    return
  }
}

</mosaic_0001>

<sc_bundles>
// kernel: kernel.4.cloned.1.call-start
scs
__scs_entry_jumppad:
0x0: {  	(pc) =	sbr.rel $0x88, $3  }
0x1: {  	(tag) =	ssettag $0x0;
	lr =	simm.s32 $0x1  }
0x2: {  	[smem:$0x3F9E] =	sst lr;
	_ =	strace $0xD0000000  }
0x3: {  	_ = 	snop  }
0x4: {  	_ = 	snop  }
0x5: {  	_ = 	snop  }
0x6: {  	_ = 	snop  }
0x7: {  	_ = 	snop  }
__scs_overlays_trampoline_lowered:
0x8: {  	[smem:$0x3FAD] =	sst s0  }
0x9: {  	[smem:$0x3FAE] =	sst s1  }
0xa: {  	[smem:$0x3FAF] =	sst s2  }
0xb: {  	[smem:$0x3FB0] =	sst s3  }
0xc: {  	[smem:$0x3FB1] =	sst s4  }
0xd: {  	[smem:$0x3FB2] =	sst s5  }
0xe: {  	[smem:$0x3FB3] =	sst s6  }
0xf: {  	[smem:$0x3FB4] =	sst s7  }
0x10: {  	[smem:$0x3FB5] =	sst s8  }
0x11: {  	[smem:$0x3FB6] =	sst s9;
	s0 =	simm.s32 @!p0 $0x0  }
0x12: {  	s1 =	sld [smem:$0x3F9C];
	s0 =	simm.s32 @p0 $0x1  }
0x13: {  	[smem:$0x3FB7] =	sst s0;
	s0 =	simm.s32 @!p1 $0x0  }
0x14: {  	s2 =	sld [smem:$0x3F9B];
	s0 =	simm.s32 @p1 $0x1  }
0x15: {  	[smem:$0x3FB8] =	sst s0;
	s0 =	simm.s32 @!p2 $0x0  }
0x16: {  	s3 =	sld [smem:$0x3FDB];
	s0 =	simm.s32 @p2 $0x1  }
0x17: {  	s4 =	simm.s32 $0x1BF5;
	[smem:$0x3FBA] =	sst s0  }
0x18: {  	s0 =	sld [smem:$0x3F9D];
	_ =	swait.ge [sflag:s4], $0x0  }
0x19: {  	s7 =	sld [smem:$0x3F9E]  }
0x1a: {  	s8 =	sadd.s32 $0xFFFFE003, lr  }
0x1b: {  	s9 =	sadd.s32 $0xFFFFFEF7, lr;
	s5 =	simm.s32 $0xFFFFFFFF;
	p2 =	slt.u32 s8, $0xFFFFF086  }
0x1c: {  	p1 =	slt.u32 s9, $0xF7A;
	s5 =	simm.s32 @!p2 $0x0  }
0x1d: {  	s5 =	simm.s32 @p1 $0x1;
	p0 =	seq.s32 s7, s2  }
0x1e: {  	s7 =	smul.u32 @!p0 $0xF7A, s2;
	p2 =	seq.s32 @!p0 s5, $0x0  }
0x1f: {  	s9 =	smul.u32 $0xF7A, s1;
	s8 =	simm.s32 @!p0 $0x1BF5;
	p2 =	por !p2, p0  }
0x20: {  	[sflag:s8] =	ssyncset.s32 @!p0 $0xFFFFF086;
	s6 =	sadd.s32 @!p0 s3, s7;
	s7 =	simm.s32 @!p0 $0x108  }
0x21: {  	s3 =	sadd.s32 s3, s9;
	s6 =	sadd.s32 @!p0 $0x88, s6;
	s7 =	simm.s32 @p2 $0x1082  }
0x22: {  	[simem:s7], [sflag:s8] =	dma.local @!p0 [hbm:s6], $0xF7A  }
0x23: {  	s9 =	sor.u32 $0xD0000000, s2;
	s6 =	simm.s32 $0x108;
	_ =	swait.ge @!p0 [sflag:s8], $0x0  }
0x24: {  	s3 =	sadd.s32 $0x88, s3;
	s6 =	simm.s32 @!p1 $0x1082;
	[sflag:s4] =	ssyncset.s32 $0xFFFFF086  }
0x25: {  	[simem:s6], [sflag:s4] =	dma.local [hbm:s3], $0xF7A  }
0x26: {  	[smem:$0x3F9E] =	sst s1;
	(tag) =	ssettag s2;
	_ =	strace s9  }
0x27: {  	s1 =	sld [smem:$0x3FAE]  }
0x28: {  	s2 =	sld [smem:$0x3FAF]  }
0x29: {  	s4 =	sld [smem:$0x3FB1]  }
0x2a: {  	p0 =	seq.s32 s5, $0x0;
	s5 =	sld [smem:$0x3FB2]  }
0x2b: {  	s6 =	sld [smem:$0x3FB3]  }
0x2c: {  	s7 =	sld [smem:$0x3FB4]  }
0x2d: {  	s3 =	simm.s32 $0x108;
	s8 =	sld [smem:$0x3FB5]  }
0x2e: {  	s3 =	simm.s32 @!p0 $0x1082;
	s9 =	sld [smem:$0x3FB6]  }
0x2f: {  	lr =	sadd.s32 s0, s3;
	s0 =	sld [smem:$0x3FAD]  }
0x30: {  	s3 =	sld [smem:$0x3FB0]  }
0x31: {  	[smem:$0x3FB9] =	sst s10  }
0x32: {  	s10 =	sld [smem:$0x3FB7];
	_ =	sdelay $0x3  }
0x33: {  	p0 =	seq.s32 s10, $0x1;
	s10 =	sld [smem:$0x3FB9];
	_ =	sdelay $0x3  }
0x34: {  	[smem:$0x3FB9] =	sst s10  }
0x35: {  	s10 =	sld [smem:$0x3FB8];
	_ =	sdelay $0x3  }
0x36: {  	p1 =	seq.s32 s10, $0x1;
	s10 =	sld [smem:$0x3FB9];
	_ =	sdelay $0x3  }
0x37: {  	[smem:$0x3FB9] =	sst s10  }
0x38: {  	s10 =	sld [smem:$0x3FBA]  }
0x39: {  	_ = 	snop;
	(pc) =	sbr.ind lr, $3  }
0x3a: {  	_ = 	snop  }
0x3b: {  	_ = 	snop  }
0x3c: {  	p2 =	seq.s32 s10, $0x1;
	s10 =	sld [smem:$0x3FB9]  }
0x3d: {  	_ =	shalt  }
0x3e: {  	_ =	shalt  }
0x3f: {  	_ =	shalt  }
0x40: {  	_ =	shalt  }
0x41: {  	_ =	shalt  }
0x42: {  	_ =	shalt  }
0x43: {  	_ =	shalt  }
0x44: {  	_ =	shalt  }
0x45: {  	_ =	shalt  }
0x46: {  	_ =	shalt  }
0x47: {  	_ =	shalt  }
0x48: {  	_ =	shalt  }
0x49: {  	_ =	shalt  }
0x4a: {  	_ =	shalt  }
0x4b: {  	_ =	shalt  }
0x4c: {  	_ =	shalt  }
0x4d: {  	_ =	shalt  }
0x4e: {  	_ =	shalt  }
0x4f: {  	_ =	shalt  }
0x50: {  	_ =	shalt  }
0x51: {  	_ =	shalt  }
0x52: {  	_ =	shalt  }
0x53: {  	_ =	shalt  }
0x54: {  	_ =	shalt  }
0x55: {  	_ =	shalt  }
0x56: {  	_ =	shalt  }
0x57: {  	_ =	shalt  }
0x58: {  	_ =	shalt  }
0x59: {  	_ =	shalt  }
0x5a: {  	_ =	shalt  }
0x5b: {  	_ =	shalt  }
0x5c: {  	_ =	shalt  }
0x5d: {  	_ =	shalt  }
0x5e: {  	_ =	shalt  }
0x5f: {  	_ =	shalt  }
0x60: {  	_ =	shalt  }
0x61: {  	_ =	shalt  }
0x62: {  	_ =	shalt  }
0x63: {  	_ =	shalt  }
0x64: {  	_ =	shalt  }
0x65: {  	_ =	shalt  }
0x66: {  	_ =	shalt  }
0x67: {  	_ =	shalt  }
0x68: {  	_ =	shalt  }
0x69: {  	_ =	shalt  }
0x6a: {  	_ =	shalt  }
0x6b: {  	_ =	shalt  }
0x6c: {  	_ =	shalt  }
0x6d: {  	_ =	shalt  }
0x6e: {  	_ =	shalt  }
0x6f: {  	_ =	shalt  }
0x70: {  	_ =	shalt  }
0x71: {  	_ =	shalt  }
0x72: {  	_ =	shalt  }
0x73: {  	_ =	shalt  }
0x74: {  	_ =	shalt  }
0x75: {  	_ =	shalt  }
0x76: {  	_ =	shalt  }
0x77: {  	_ =	shalt  }
0x78: {  	_ =	shalt  }
0x79: {  	_ =	shalt  }
0x7a: {  	_ =	shalt  }
0x7b: {  	_ =	shalt  }
0x7c: {  	_ =	shalt  }
0x7d: {  	_ =	shalt  }
0x7e: {  	_ =	shalt  }
0x7f: {  	_ =	shalt  }
0x80: {  	_ =	shalt  }
0x81: {  	_ =	shalt  }
0x82: {  	_ =	shalt  }
0x83: {  	_ =	shalt  }
0x84: {  	_ =	shalt  }
0x85: {  	_ =	shalt  }
0x86: {  	_ =	shalt  }
0x87: {  	_ =	shalt  }
.Lfunc_end0:
.L_simem_size_0:
called_computation_lowered:
.L_overlay_start_0:
0x88: {  	s2 =	sld [smem:$0x3FD9]  }
0x89: {  	s3 =	sld [smem:$0x3FFE];
	_ =	sdelay $0x1  }
0x8a: {  	s1 =	srdreg.scid  }
0x8b: {  	s0 =	sand.u32 $0x1, s1  }
0x8c: {  	s17 =	sshll.u32 s0, $0xA;
	s2 =	sadd.s32 s3, s2  }
0x8d: {  	s2 =	sadd.s32 s2, s17  }
0x8e: {  	[smem:$0x3FC5] =	sst s2  }
0x8f: {  	_ = 	snop  }
0x90: {  	s2 =	sld [smem:$0x3FC8];
	(tm) =	ssettm $0x1  }
0x91: {  	s18 =	sld [smem:$0x3FFB];
	_ =	sdelay $0x3  }
0x92: {  	_ =	strace s18  }
0x93: {  	s3 =	sld [smem:$0x3FFC];
	_ =	sdelay $0x3  }
0x94: {  	_ =	strace s3  }
0x95: {  	s3 =	sld [smem:$0x3FFD];
	_ =	sdelay $0x3  }
0x96: {  	_ =	strace s3  }
0x97: {  	_ =	strace $0x8FFFFFFF  }
0x98: {  	s19 =	sld [smem:$0x3FDB];
	_ =	sdelay $0x1  }
0x99: {  	s4 =	simm.s32 $_scs_section_size  }
0x9a: {  	s5 =	simm.s32 $_size__tile_overlayer_lowered;
	s6 =	simm.s32 $_tile_overlayer_lowered  }
0x9b: {  	s22 =	simm.s32 $0x1BFF;
	s21 =	sshll.u32 s6, $0x1;
	s3 =	sadd.s32 s4, s19  }
0x9c: {  	s7 =	simm.s32 $0x0;
	s20 =	sshll.u32 s5, $0x1;
	s5 =	sadd.s32 s21, s3  }
0x9d: {  	[timem:s7], [sflag:s22] =	dma.local [hbm:s5], s20  }
0x9e: {  	_ =	swait.ge [sflag:s22], s20  }
0x9f: {  	s4 =	ssub.s32 $0x0, s20;
	[sflag:s22] =	ssyncset.done $0x0  }
0xa0: {  	[sflag:s22] =	ssyncadd.s32 s4;
	_ =	sdelay $0x1  }
0xa1: {  	s23 =	simm.s32 $0x1B8B  }
0xa2: {  	_ =	swait.ge [sflag:s23], $0x1  }
0xa3: {  	[sflag:s23] =	ssyncset.done $0x0  }
0xa4: {  	s25 =	simm.s32 $0x1B8E;
	s24 =	sld [smem:$0x3FFE];
	[sflag:s23] =	ssyncadd.s32 $0xFFFFFFFF  }
0xa5: {  	s26 =	simm.s32 $execute0_lowered;
	[smem:$0x3FD2] =	sst s25  }
0xa6: {  	s5 =	sshll.u32 s26, $0x1;
	_ =	strace $0x80000046;
	[dreg:$0x1] =	wrdreg $0xFFFFFFFF  }
0xa7: {  	s28 =	simm.s32 $_size_execute0_lowered;
	s3 =	sadd.s32 s3, s5;
	[dreg:$0x0] =	wrdreg $0x0  }
0xa8: {  	s5 =	sshll.u32 s28, $0x1;
	[dreg:$0x2] =	wrdreg s3  }
0xa9: {  	[dreg:$0x3] =	wrdreg s5  }
0xaa: {  	[dreg:$0x4] =	wrdreg $0xC0  }
0xab: {  	_ =	task [dreg:s7], $0x5FFFF  }
0xac: {  	[dreg:$0x1] =	wrdreg $0xFFFFFFFF  }
0xad: {  	[dreg:$0x0] =	wrdreg $0x60  }
0xae: {  	[dreg:$0x2] =	wrdreg s24  }
0xaf: {  	[dreg:$0x3] =	wrdreg s2  }
0xb0: {  	[dreg:$0x4] =	wrdreg $0x9  }
0xb1: {  	_ =	task.clear_ibuf [dreg:s7], $0x5FFFF;
	_ =	strace $0x90000046  }
0xb2: {  	s29 =	simm.s32 $0x9;
	_ =	strace $0x80000048  }
0xb3: {  	_ =	swait.ge [sflag:s29], $0x1  }
0xb4: {  	[sflag:s29] =	ssyncadd.s32 $0xFFFFFFFF  }
0xb5: {  	_ =	strace $0x90000048  }
0xb6: {  	_ =	sfence  }
0xb7: {  	s30 =	sld [smem:$0x0];
	_ =	sdelay $0x2  }
0xb8: {  	s31 =	sshll.u32 s1, $0xD;
	s1 =	sshrl.u32 s1, $0x2  }
0xb9: {  	s3 =	sand.u32 $0x4000, s31;
	s1 =	sadd.s32 s1, s30  }
0xba: {  	s0 =	sor.u32 s3, s0;
	s1 =	sshll.u32 s1, $0x11  }
0xbb: {  	s0 =	sor.u32 s1, s0  }
0xbc: {  	s0 =	sadd.s32 $0x8F2B, s0  }
0xbd: {  	[sflag:s0] =	ssyncadd.remote.s32 $0x1  }
0xbe: {  	_ =	sfence.sel $0xFFFF  }
0xbf: {  	[dreg:$0x0] =	wrdreg $0xFFFFFFFF;
	(pc) =	sbr.abs _section_cstart, $3  }
0xc0: {  	[dreg:$0x1] =	wrdreg $0xFFFFFFFF  }
0xc1: {  	_ =	task.clear_ibuf [dreg:s7], $0x2FFFF;
	_ =	strace $0x9FFFFFFF  }
0xc2: {  	(tm) =	ssettm $0x7FFFFFFF  }
0xc3: {  	_ =	shalt  }
tec
execute0_lowered:
.L_overlay_start_1:
0x0: {  	(tag) =	ssettag $0x1  }
0x1: {  	s4 =	rddreg [dreg:$0x0];
	s1 =	srdreg.scid  }
0x2: {  	s0 =	stileid.u32;
	s5 =	rddreg [dreg:$0x1]  }
0x3: {  	s2 =	simm.s32 $0x0;
	s11 =	simm.s32 $0x8200;
	s12 =	simm.s32 $0xA200  }
0x4: {  	s13 =	simm.s32 $0x100;
	s14 =	simm.s32 $0xC200;
	s15 =	simm.s32 $0x180  }
0x5: {  	s16 =	simm.s32 $0xE200;
	s17 =	simm.s32 $0x2;
	s18 =	simm.s32 $0x1  }
0x6: {  	s19 =	simm.s32 $0x10200;
	s6 =	sand.u32 $0x1, s1;
	s1 =	rddreg [dreg:$0x2]  }
0x7: {  	s20 =	simm.s32 $0x0;
	s3 =	sshll.u32 s0, $0x1;
	[smem:$0x7FF] =	sst s2  }
0x8: {  	s7 =	sor.u32 s6, s3;
	_ =	strace $0x80000047;
	s6 =	ssub.s32 $0x2, s6  }
0x9: {  	s3 =	sshll.u32 s7, $0xC;
	s9 =	sshll.u32 s7, $0x1;
	s31 =	sshrl.u32 s6, $0x1  }
0xa: {  	s7 =	sshll.u32 s7, $0x6;
	s8 =	sadd.s32 s3, s4;
	s3 =	sadd.s32 $0x187000, s4  }
0xb: {  	s9 =	sadd.s32 s9, s4;
	s10 =	ssub.s32 s6, s31;
	s4 =	sadd.s32 s5, s7  }
0xc: {  	s5 =	sadd.s32 $0x600, s8;
	s6 =	sadd.s32 $0x20600, s9;
	s7 =	smax.u32 s10, $0x1  }
0xd: {  	s8 =	simm.s32 $0x3;
	s9 =	simm.s32 $0x200;
	s10 =	simm.s32 $0x80  }
.LBB2_1:
0xe: {  	[tilespmem:s2], [sflag:$0x3] =	stream.linear.gather [hbm4b:s4+s2], $0x200, $0x38;
	[tilespmem:$0x10210] =	vst v63  }
0xf: {  	_ =	swait.ge [sflag:s8], $0x200  }
0x10: {  	[sflag:s8] =	ssyncset.done $0x0  }
0x11: {  	[sflag:s8] =	ssyncadd.s32 $0xFFFFFE00  }
0x12: {  	[tilespmem:s9], [sflag:$0x2] =	stream.linear.gather [hbm4b:s5+s2], $0x8000, $0x38;
	[tilespmem:$0x10210] =	vst v63  }
0x13: {  	_ = 	snop  }
0x14: {  	[tilespmem:s11], [sflag:$0x1] =	stream.indirect.gather [hbm4b:s3+s10], $0x40, s2, s10, $0xb8;
	[tilespmem:$0x10210] =	vst v63  }
0x15: {  	_ = 	snop  }
0x16: {  	[tilespmem:s12], [sflag:$0x1] =	stream.indirect.gather [hbm4b:s3+s10], $0x40, s10, s10, $0xb8;
	[tilespmem:$0x10210] =	vst v63  }
0x17: {  	_ = 	snop  }
0x18: {  	[tilespmem:s14], [sflag:$0x1] =	stream.indirect.gather [hbm4b:s3+s10], $0x40, s13, s10, $0xb8;
	[tilespmem:$0x10210] =	vst v63  }
0x19: {  	_ = 	snop  }
0x1a: {  	[tilespmem:s16], [sflag:$0x1] =	stream.indirect.gather [hbm4b:s3+s10], $0x40, s15, s10, $0xb8;
	[tilespmem:$0x10210] =	vst v63  }
0x1b: {  	_ =	swait.ge [sflag:s17], $0x8000  }
0x1c: {  	[sflag:s17] =	ssyncset.done $0x0  }
0x1d: {  	[sflag:s17] =	ssyncadd.s32 $0xFFFF8000  }
0x1e: {  	_ =	swait.ge [sflag:s18], $0x2000  }
0x1f: {  	[sflag:s18] =	ssyncset.done $0x0  }
0x20: {  	[sflag:s18] =	ssyncadd.s32 $0xFFFFE000  }
0x21: {  	_ =	swait.ge [sflag:s18], $0x2000  }
0x22: {  	[sflag:s18] =	ssyncset.done $0x0  }
0x23: {  	[sflag:s18] =	ssyncadd.s32 $0xFFFFE000  }
0x24: {  	_ =	swait.ge [sflag:s18], $0x2000  }
0x25: {  	[sflag:s18] =	ssyncset.done $0x0  }
0x26: {  	[sflag:s18] =	ssyncadd.s32 $0xFFFFE000  }
0x27: {  	_ =	swait.ge [sflag:s18], $0x2000  }
0x28: {  	[sflag:s18] =	ssyncset.done $0x0  }
0x29: {  	s22 =	simm.s32 $0x0;
	[sflag:s18] =	ssyncadd.s32 $0xFFFFE000  }
0x2a: {  	v0 =	vld [tilespmem:s22+$0x230]  }
0x2b: {  	v1 =	vld [tilespmem:s22+$0x8230]  }
0x2c: {  	v5 =	vld [tilespmem:s22+$0x200]  }
0x2d: {  	v8 =	vld [tilespmem:s22+$0x8200];
	_ =	sdelay $0x1  }
0x2e: {  	v4 =	vld [tilespmem:s22+$0x210]  }
0x2f: {  	v6 =	vld [tilespmem:s22+$0x8210]  }
0x30: {  	v3 =	vld [tilespmem:s22+$0x220];
	v0 =	vsub.f32 v0, v1  }
0x31: {  	v2 =	vimm.f32 $0.0e+00;
	s21 =	simm.s32 $0x40;
	v7 =	vld [tilespmem:s22+$0x8220];
	v10 =	vsub.f32 v5, v8;
	v5 =	vimm.f32 $0.0e+00  }
0x32: {  	s22 =	simm.s32 $0x200;
	v8 =	vld [tilespmem:s21+$0x230];
	v1 =	vimm.f32 $0.0e+00;
	v9 =	vmul.f32 v0, v0;
	v0 =	vimm.f32 $0.0e+00  }
.LBB2_2:
0x33: {  	p0 =	sne.s32 s22, $0x1FF00;
	v11 =	vld [tilespmem:s21+$0x8230]  }
0x34: {  	v12 =	vld [tilespmem:s21+$0x200];
	v10 =	vmul.f32 v10, v10;
	v6 =	vsub.f32 v4, v6;
	v2 =	vadd.f32 v9, v2  }
0x35: {  	v9 =	vld [tilespmem:s21+$0x8200]  }
.Ltmp0:
0x36: {  	v4 =	vld [tilespmem:s21+$0x210];
	v5 =	vadd.f32 v10, v5;
	v10 =	vmul.f32 v6, v6;
	v7 =	vsub.f32 v3, v7;
	(pc) =	sbr.rel @p0 .LBB2_2-.Ltmp0, $4  }
0x37: {  	v6 =	vld [tilespmem:s21+$0x8210]  }
0x38: {  	v3 =	vld [tilespmem:s21+$0x220];
	v11 =	vsub.f32 v8, v11;
	v1 =	vadd.f32 v10, v1;
	v13 =	vmul.f32 v7, v7  }
0x39: {  	v7 =	vld [tilespmem:s21+$0x8220];
	s21 =	sshra.s32 s22, $0x2  }
0x3a: {  	s22 =	sadd.s32 $0x100, s22;
	v8 =	vld [tilespmem:s21+$0x230];
	v10 =	vsub.f32 v12, v9;
	v9 =	vmul.f32 v11, v11;
	v0 =	vadd.f32 v13, v0  }
0x3b: {  	v11 =	vld [tilespmem:s21+$0x8230]  }
0x3c: {  	v12 =	vld [tilespmem:s21+$0x200]  }
0x3d: {  	v13 =	vld [tilespmem:s21+$0x8200]  }
0x3e: {  	v14 =	vld [tilespmem:s21+$0x210]  }
0x3f: {  	v15 =	vld [tilespmem:s21+$0x8210]  }
0x40: {  	v16 =	vld [tilespmem:s21+$0x220]  }
0x41: {  	v17 =	vld [tilespmem:s21+$0x8220]  }
0x42: {  	v10 =	vmul.f32 v10, v10  }
0x43: {  	v4 =	vsub.f32 v4, v6;
	v2 =	vadd.f32 v9, v2  }
0x44: {  	v5 =	vadd.f32 v10, v5;
	v3 =	vsub.f32 v3, v7  }
0x45: {  	v4 =	vmul.f32 v4, v4;
	v55 =	vsub.f32 v8, v11;
	v56 =	vsub.f32 v12, v13  }
0x46: {  	v3 =	vmul.f32 v3, v3;
	v57 =	vsub.f32 v14, v15;
	v58 =	vsub.f32 v16, v17  }
0x47: {  	v1 =	vadd.f32 v4, v1;
	v59 =	vmul.f32 v55, v55;
	v60 =	vmul.f32 v56, v56  }
0x48: {  	v0 =	vadd.f32 v3, v0;
	v61 =	vmul.f32 v57, v57;
	v62 =	vmul.f32 v58, v58  }
0x49: {  	v2 =	vadd.f32 v59, v2;
	v63 =	vadd.f32 v60, v5  }
0x4a: {  	v1 =	vadd.f32 v61, v1;
	v0 =	vadd.f32 v62, v0;
	_ =	sdelay $0x1  }
0x4b: {  	v1 =	vadd.f32 v1, v63;
	v0 =	vadd.f32 v2, v0;
	_ =	sdelay $0x1  }
0x4c: {  	s20 =	sadd.s32 $0x1, s20;
	v0 =	vadd.f32 v0, v1  }
0x4d: {  	p0 =	sne.s32 s20, s7  }
.Ltmp1:
0x4e: {  	[tilespmem:$0x10200] =	vst v0;
	(pc) =	sbr.rel @p0 .LBB2_1-.Ltmp1, $4  }
0x4f: {  	[hbm4b:s6+s2] =	stream.linear.scatter [tilespmem:s19], [sflag:$0x3], $0x10, $0x38;
	[tilespmem:$0x10210] =	vst v63  }
0x50: {  	_ =	swait.ge [sflag:s8], $0x10  }
0x51: {  	[sflag:s8] =	ssyncset.done $0x0  }
0x52: {  	[sflag:s8] =	ssyncadd.s32 $0xFFFFFFF0  }
0x53: {  	_ =	sfence.sel $0x180000  }
0x54: {  	[bflag:$0x0] =	sbarrier.arrive $0xFFFF  }
0x55: {  	p0 =	sne.s32 s0, $0x0;
	_ =	strace $0x90000047  }
0x56: {  	s0 =	sadd.s32 @!p0 $0x100000, s1;
	[bflag:$0x2] =	sbarrier.arrive $0xFFFF  }
0x57: {  	[sflag:s0] =	ssyncadd.tile.s32 @!p0 $0x1;
	_ =	shalt  }
.Lfunc_end2:
_tile_overlayer_lowered:
.L_overlay_start_2:
0x58: {  	(tag) =	ssettag $0x2  }
0x59: {  	s0 =	rddreg [dreg:$0x0];
	s2 =	stileid.u32  }
0x5a: {  	s1 =	rddreg [dreg:$0x1];
	p0 =	sne.s32 s2, $0x0  }
0x5b: {  	s3 =	rddreg [dreg:$0x2];
	[bflag:$0x3] =	sbarrier.arrive $0xFFFF;
	s2 =	simm.s32 @!p0 $0x1C03  }
0x5c: {  	[timem:s3], [sflag:s2] =	dma.local @!p0 [hbm:s0], s1  }
0x5d: {  	s0 =	simm.s32 @!p0 $0x3  }
0x5e: {  	_ =	swait.ge @!p0 [sflag:s0], s1  }
0x5f: {  	s1 =	ssub.s32 @!p0 $0x0, s1;
	[sflag:s0] =	ssyncset.done @!p0 $0x0  }
0x60: {  	[sflag:s0] =	ssyncadd.s32 @!p0 s1  }
0x61: {  	[bflag:$0x3] =	sbarrier.arrive $0xFFFF  }
0x62: {  	_ =	shalt  }

</sc_bundles>
